<compile_context>
chip_gen: v7x
topology: tpu7x:2x2x1
jax: 0.10.2.dev20260603
libtpu: 0.0.44.dev20260713+nightly
codegen_flags: <defaults>
</compile_context>

<pallas_src>
import functools

import jax
import jax.numpy as jnp
from jax import lax
from jax.experimental import pallas as pl
from jax.experimental.pallas import tpu as pltpu
from jax.experimental.pallas import tpu_sc as plsc

EDGE_VOCAB = 64
EDGE_DIM = 128
HIDDEN_DIM = 256
B, N = 16, 64
B_TOT = B * N * N
N_REPLICAS = 32

SC_ROWS = 4096
TC_BLK = 4096


def _mlp_table_kernel(table_ref, w1_ref, b1_ref, w2_ref, b2_ref, out_ref):
    h = jnp.dot(table_ref[...], w1_ref[...], preferred_element_type=jnp.float32)
    h = h + b1_ref[...]
    h = jax.nn.gelu(h)
    o = jnp.dot(h, w2_ref[...], preferred_element_type=jnp.float32)
    o = o + b2_ref[...]
    out_ref[...] = jnp.broadcast_to(
        o[None], (N_REPLICAS, EDGE_VOCAB, HIDDEN_DIM)
    ).reshape(N_REPLICAS * EDGE_VOCAB, HIDDEN_DIM)


def _fused_table(table, W1, b1, W2, b2):
    return pl.pallas_call(
        _mlp_table_kernel,
        out_shape=jax.ShapeDtypeStruct(
            (N_REPLICAS * EDGE_VOCAB, HIDDEN_DIM), jnp.float32
        ),
    )(table, W1, b1.reshape(1, HIDDEN_DIM), W2, b2.reshape(1, HIDDEN_DIM))


N_BUF = 4
CHUNK = 64
GATHER_LAG = 2


def _make_gather(n_rows):
    info = plsc.get_sparse_core_info()
    NC, NS = info.num_cores, info.num_subcores
    NW = NC * NS
    b_per_w = n_rows // NW
    assert b_per_w == 128
    n_chunks = b_per_w // CHUNK
    mesh = plsc.VectorSubcoreMesh(core_axis_name="c", subcore_axis_name="s")

    @functools.partial(
        pl.kernel,
        mesh=mesh,
        out_type=jax.ShapeDtypeStruct((n_rows, HIDDEN_DIM), jnp.float32),
        scratch_types=[
            pltpu.VMEM((b_per_w,), jnp.int32),
        ]
        + [pltpu.VMEM((CHUNK, HIDDEN_DIM), jnp.float32) for _ in range(N_BUF)]
        + [pltpu.SemaphoreType.DMA for _ in range(2 * N_BUF)],
    )
    def gather_k(idx_hbm, table_hbm, out_hbm, idx_v, *bufs_and_sems):
        bufs = bufs_and_sems[:N_BUF]
        g_sems = bufs_and_sems[N_BUF : 2 * N_BUF]
        w_sems = bufs_and_sems[2 * N_BUF :]
        wid = lax.axis_index("s") * NC + lax.axis_index("c")
        base = wid * b_per_w
        pltpu.sync_copy(idx_hbm.at[wid], idx_v)
        off = (wid * EDGE_VOCAB).astype(jnp.int32)
        for j in range(b_per_w // 16):
            sl = pl.ds(j * 16, 16)
            idx_v[sl] = idx_v[sl] + off

        def start_gather(i):
            return pltpu.async_copy(
                table_hbm.at[idx_v.at[pl.ds(i * CHUNK, CHUNK)]],
                bufs[i % N_BUF],
                g_sems[i % N_BUF],
            )

        def start_write(i):
            return pltpu.async_copy(
                bufs[i % N_BUF],
                out_hbm.at[pl.ds(base + i * CHUNK, CHUNK)],
                w_sems[i % N_BUF],
            )

        g_handles, w_handles = {}, {}
        for s in range(n_chunks + GATHER_LAG):
            i_g = s
            if i_g < n_chunks:
                if i_g >= N_BUF:
                    w_handles.pop(i_g - N_BUF).wait()
                g_handles[i_g] = start_gather(i_g)
            i_w = s - GATHER_LAG
            if 0 <= i_w < n_chunks:
                g_handles.pop(i_w).wait()
                w_handles[i_w] = start_write(i_w)
        for i in sorted(w_handles):
            w_handles.pop(i).wait()

    return gather_k


def _onehot_kernel(
    idx_ref, table_ref, w1_ref, b1_ref, w2_ref, b2_ref, out_ref, tab_s
):
    @pl.when(pl.program_id(0) == 0)
    def _():
        h = jnp.dot(
            table_ref[...], w1_ref[...], preferred_element_type=jnp.float32
        )
        h = jax.nn.gelu(h + b1_ref[...])
        o = jnp.dot(h, w2_ref[...], preferred_element_type=jnp.float32)
        tab_s[...] = o + b2_ref[...]

    sub = TC_BLK // 128
    onehot = (
        idx_ref[...][..., None]
        == lax.broadcasted_iota(jnp.int32, (sub, 128, EDGE_VOCAB), 2)
    ).astype(jnp.float32).reshape(TC_BLK, EDGE_VOCAB)
    out_ref[...] = jnp.dot(onehot, tab_s[...], preferred_element_type=jnp.float32)


def _tc_lookup(idx2d, table, W1, b1, W2, b2):
    n_blocks = (B_TOT - SC_ROWS) // TC_BLK
    blk0 = SC_ROWS // TC_BLK
    fixed = lambda j: (0, 0)
    return pl.pallas_call(
        _onehot_kernel,
        grid=(n_blocks,),
        in_specs=[
            pl.BlockSpec((TC_BLK // 128, 128), lambda j: (blk0 + j, 0)),
            pl.BlockSpec((EDGE_VOCAB, EDGE_DIM), fixed),
            pl.BlockSpec((EDGE_DIM, HIDDEN_DIM), fixed),
            pl.BlockSpec((1, HIDDEN_DIM), fixed),
            pl.BlockSpec((HIDDEN_DIM, HIDDEN_DIM), fixed),
            pl.BlockSpec((1, HIDDEN_DIM), fixed),
        ],
        out_specs=pl.BlockSpec((TC_BLK, HIDDEN_DIM), lambda j: (blk0 + j, 0)),
        out_shape=jax.ShapeDtypeStruct((B_TOT, HIDDEN_DIM), jnp.float32),
        scratch_shapes=[pltpu.VMEM((EDGE_VOCAB, HIDDEN_DIM), jnp.float32)],
    )(
        idx2d,
        table,
        W1,
        b1.reshape(1, HIDDEN_DIM),
        W2,
        b2.reshape(1, HIDDEN_DIM),
    )


def kernel(edge_types, table, W1, b1, W2, b2):
    fused = _fused_table(table, W1, b1, W2, b2)
    idx2d = edge_types.reshape(B_TOT // 128, 128).astype(jnp.int32)
    sc_out = _make_gather(SC_ROWS)(idx2d, fused)
    tc_full = _tc_lookup(idx2d, table, W1, b1, W2, b2)
    out = lax.dynamic_update_slice(tc_full, sc_out, (0, 0))
    return out.reshape(B, N, N, HIDDEN_DIM)

# --- scband reference (transcript-rebuilt; emitter-appended) ---
"""Pipeline reference for scband-edge-embedder-91182155694328 (READ-ONLY COPY).

The authoritative reference and input builder live on the scoring server;
editing this copy changes nothing except your own understanding.
"""

import jax, jax.numpy as jnp
import numpy as np

EDGE_VOCAB = 64
EDGE_DIM = 128
HIDDEN_DIM = 256
B, N = 16, 64

def setup_inputs(seed: int = 0) -> dict:
    key = jax.random.key(seed)
    k1, k2, k3, k4, k5 = jax.random.split(key, 5)
    edge_types = jax.random.randint(k1, (B, N, N), 0, EDGE_VOCAB, dtype=jnp.int64 if jax.config.jax_enable_x64 else jnp.int32)
    table = jax.random.normal(k2, (EDGE_VOCAB, EDGE_DIM), dtype=jnp.float32) * 0.02
    W1 = jax.random.normal(k3, (EDGE_DIM, HIDDEN_DIM), dtype=jnp.float32) * (1.0 / np.sqrt(EDGE_DIM))
    b1 = jnp.zeros((HIDDEN_DIM,), dtype=jnp.float32)
    W2 = jax.random.normal(k4, (HIDDEN_DIM, HIDDEN_DIM), dtype=jnp.float32) * (1.0 / np.sqrt(HIDDEN_DIM))
    b2 = jnp.zeros((HIDDEN_DIM,), dtype=jnp.float32)
    return {"edge_types": edge_types, "table": table, "W1": W1, "b1": b1, "W2": W2, "b2": b2}

def reference(edge_types, table, W1, b1, W2, b2):
    # nn.Embed: gather rows of the embedding table
    emb = jnp.take(table, edge_types, axis=0)  # (B, N, N, edge_dim)
    # fuse Dense
    h = jnp.einsum('bnmd,dh->bnmh', emb, W1) + b1
    # gelu activation (flax nn.gelu default, approximate tanh)
    h = jax.nn.gelu(h)
    # output Dense
    h = jnp.einsum('bnmh,hk->bnmk', h, W2) + b2
    return h

if __name__ == "__main__":
    import jax
    _d = setup_inputs()
    print(jax.jit(kernel)(*tuple(_d.values())))

</pallas_src>

<mosaic_0001>
#map = affine_map<(d0, d1) -> (0, 0)>
module attributes {stable_mosaic.version = 14 : i64} {
  func.func @gather_k(%arg0: i32, %arg1: i32, %arg2: memref<512x128xi32, #tpu.memory_space<hbm>>, %arg3: memref<2048x256xf32, #tpu.memory_space<hbm>>, %arg4: memref<4096x256xf32, #tpu.memory_space<hbm>>, %arg5: memref<128xi32, #tpu.memory_space<vmem>>, %arg6: memref<64x256xf32, #tpu.memory_space<vmem>>, %arg7: memref<64x256xf32, #tpu.memory_space<vmem>>, %arg8: memref<64x256xf32, #tpu.memory_space<vmem>>, %arg9: memref<64x256xf32, #tpu.memory_space<vmem>>, %arg10: memref<!tpu.dma_semaphore, #tpu.memory_space<semaphore_mem>>, %arg11: memref<!tpu.dma_semaphore, #tpu.memory_space<semaphore_mem>>, %arg12: memref<!tpu.dma_semaphore, #tpu.memory_space<semaphore_mem>>, %arg13: memref<!tpu.dma_semaphore, #tpu.memory_space<semaphore_mem>>, %arg14: memref<!tpu.dma_semaphore, #tpu.memory_space<semaphore_mem>>, %arg15: memref<!tpu.dma_semaphore, #tpu.memory_space<semaphore_mem>>, %arg16: memref<!tpu.dma_semaphore, #tpu.memory_space<semaphore_mem>>, %arg17: memref<!tpu.dma_semaphore, #tpu.memory_space<semaphore_mem>>) attributes {dimension_semantics = [#tpu.dimension_semantics<core_parallel>, #tpu.dimension_semantics<subcore_parallel>], iteration_bounds = array<i64: 2, 16>, scalar_prefetch = 0 : i64, scratch_operands = 13 : i64, tpu.core_type = #tpu.core_type<sc_vector_subcore>, window_params = [{transform_indices = #map}, {transform_indices = #map}, {transform_indices = #map}]} {
    %mul3A = arith.constant 2 : i32
    %mul3A_0 = arith.muli %arg1, %mul3A : i32
    %add3A = arith.addi %mul3A_0, %arg0 : i32
    %mul3A_1 = arith.constant 128 : i32
    %mul3A_2 = arith.muli %add3A, %mul3A_1 : i32
    "tpu.region"() ({
      %run_scoped3A = tpu.sem_alloc : memref<!tpu.dma_semaphore, #tpu.memory_space<semaphore_mem>>
      %dma_start3A_113 = arith.constant 0 : i32
      %dma_start3A_114 = tpu.memref_slice %arg2[%add3A, %dma_start3A_113] : memref<512x128xi32, #tpu.memory_space<hbm>> -> memref<1x128xi32, #tpu.memory_space<hbm>>
      %dma_start3A_115 = tpu.memref_squeeze %dma_start3A_114 : memref<1x128xi32, #tpu.memory_space<hbm>> -> memref<128xi32, #tpu.memory_space<hbm>>
      %dma_start3A_116 = arith.constant 0 : i32
      %dma_start3A_117 = tpu.memref_slice %arg2[%add3A, %dma_start3A_116] : memref<512x128xi32, #tpu.memory_space<hbm>> -> memref<1x128xi32, #tpu.memory_space<hbm>>
      %dma_start3A_118 = tpu.memref_squeeze %dma_start3A_117 : memref<1x128xi32, #tpu.memory_space<hbm>> -> memref<128xi32, #tpu.memory_space<hbm>>
      tpu.enqueue_dma source(%dma_start3A_118 : memref<128xi32, #tpu.memory_space<hbm>>) target(%arg5 : memref<128xi32, #tpu.memory_space<vmem>>) target_semaphore(%run_scoped3A : memref<!tpu.dma_semaphore, #tpu.memory_space<semaphore_mem>>)
      %dma_wait3A_119 = arith.constant 0 : i32
      %dma_wait3A_120 = tpu.memref_slice %arg2[%add3A, %dma_wait3A_119] : memref<512x128xi32, #tpu.memory_space<hbm>> -> memref<1x128xi32, #tpu.memory_space<hbm>>
      %dma_wait3A_121 = tpu.memref_squeeze %dma_wait3A_120 : memref<1x128xi32, #tpu.memory_space<hbm>> -> memref<128xi32, #tpu.memory_space<hbm>>
      %dma_wait3A_122 = arith.constant 0 : i32
      %dma_wait3A_123 = tpu.memref_slice %arg2[%add3A, %dma_wait3A_122] : memref<512x128xi32, #tpu.memory_space<hbm>> -> memref<1x128xi32, #tpu.memory_space<hbm>>
      %dma_wait3A_124 = tpu.memref_squeeze %dma_wait3A_123 : memref<1x128xi32, #tpu.memory_space<hbm>> -> memref<128xi32, #tpu.memory_space<hbm>>
      tpu.wait_dma2 semaphore(%run_scoped3A : memref<!tpu.dma_semaphore, #tpu.memory_space<semaphore_mem>>) src(%dma_wait3A_124 : memref<128xi32, #tpu.memory_space<hbm>>) dst(%arg5 : memref<128xi32, #tpu.memory_space<vmem>>)
      tpu.yield
    }) : () -> ()
    %mul3A_3 = arith.constant 64 : i32
    %mul3A_4 = arith.muli %add3A, %mul3A_3 : i32
    %get3A = arith.constant 0 : index
    %get3A_5 = tpu.vector_load %arg5[%get3A] {strides = array<i32>} : memref<128xi32, #tpu.memory_space<vmem>>, vector<16xi32>,
    %get3A_6 = vector.shape_cast %get3A_5 : vector<16xi32> to vector<16xi32>
    %add3A_7 = vector.broadcast %mul3A_4 : i32 to vector<16xi32>
    %add3A_8 = arith.addi %get3A_6, %add3A_7 : vector<16xi32>
    %swap3A = arith.constant 0 : index
    %swap3A_9 = tpu.vector_load %arg5[%swap3A] {strides = array<i32>} : memref<128xi32, #tpu.memory_space<vmem>>, vector<16xi32>,
    %swap3A_10 = vector.shape_cast %swap3A_9 : vector<16xi32> to vector<16xi32>
    %swap3A_11 = vector.shape_cast %add3A_8 : vector<16xi32> to vector<16xi32>
    tpu.vector_store %arg5[%swap3A], %swap3A_11 {strides = array<i32>} : memref<128xi32, #tpu.memory_space<vmem>>, vector<16xi32>,
    %get3A_12 = arith.constant 16 : index
    %get3A_13 = tpu.vector_load %arg5[%get3A_12] {strides = array<i32>} : memref<128xi32, #tpu.memory_space<vmem>>, vector<16xi32>,
    %get3A_14 = vector.shape_cast %get3A_13 : vector<16xi32> to vector<16xi32>
    %add3A_15 = vector.broadcast %mul3A_4 : i32 to vector<16xi32>
    %add3A_16 = arith.addi %get3A_14, %add3A_15 : vector<16xi32>
    %swap3A_17 = arith.constant 16 : index
    %swap3A_18 = tpu.vector_load %arg5[%swap3A_17] {strides = array<i32>} : memref<128xi32, #tpu.memory_space<vmem>>, vector<16xi32>,
    %swap3A_19 = vector.shape_cast %swap3A_18 : vector<16xi32> to vector<16xi32>
    %swap3A_20 = vector.shape_cast %add3A_16 : vector<16xi32> to vector<16xi32>
    tpu.vector_store %arg5[%swap3A_17], %swap3A_20 {strides = array<i32>} : memref<128xi32, #tpu.memory_space<vmem>>, vector<16xi32>,
    %get3A_21 = arith.constant 32 : index
    %get3A_22 = tpu.vector_load %arg5[%get3A_21] {strides = array<i32>} : memref<128xi32, #tpu.memory_space<vmem>>, vector<16xi32>,
    %get3A_23 = vector.shape_cast %get3A_22 : vector<16xi32> to vector<16xi32>
    %add3A_24 = vector.broadcast %mul3A_4 : i32 to vector<16xi32>
    %add3A_25 = arith.addi %get3A_23, %add3A_24 : vector<16xi32>
    %swap3A_26 = arith.constant 32 : index
    %swap3A_27 = tpu.vector_load %arg5[%swap3A_26] {strides = array<i32>} : memref<128xi32, #tpu.memory_space<vmem>>, vector<16xi32>,
    %swap3A_28 = vector.shape_cast %swap3A_27 : vector<16xi32> to vector<16xi32>
    %swap3A_29 = vector.shape_cast %add3A_25 : vector<16xi32> to vector<16xi32>
    tpu.vector_store %arg5[%swap3A_26], %swap3A_29 {strides = array<i32>} : memref<128xi32, #tpu.memory_space<vmem>>, vector<16xi32>,
    %get3A_30 = arith.constant 48 : index
    %get3A_31 = tpu.vector_load %arg5[%get3A_30] {strides = array<i32>} : memref<128xi32, #tpu.memory_space<vmem>>, vector<16xi32>,
    %get3A_32 = vector.shape_cast %get3A_31 : vector<16xi32> to vector<16xi32>
    %add3A_33 = vector.broadcast %mul3A_4 : i32 to vector<16xi32>
    %add3A_34 = arith.addi %get3A_32, %add3A_33 : vector<16xi32>
    %swap3A_35 = arith.constant 48 : index
    %swap3A_36 = tpu.vector_load %arg5[%swap3A_35] {strides = array<i32>} : memref<128xi32, #tpu.memory_space<vmem>>, vector<16xi32>,
    %swap3A_37 = vector.shape_cast %swap3A_36 : vector<16xi32> to vector<16xi32>
    %swap3A_38 = vector.shape_cast %add3A_34 : vector<16xi32> to vector<16xi32>
    tpu.vector_store %arg5[%swap3A_35], %swap3A_38 {strides = array<i32>} : memref<128xi32, #tpu.memory_space<vmem>>, vector<16xi32>,
    %get3A_39 = arith.constant 64 : index
    %get3A_40 = tpu.vector_load %arg5[%get3A_39] {strides = array<i32>} : memref<128xi32, #tpu.memory_space<vmem>>, vector<16xi32>,
    %get3A_41 = vector.shape_cast %get3A_40 : vector<16xi32> to vector<16xi32>
    %add3A_42 = vector.broadcast %mul3A_4 : i32 to vector<16xi32>
    %add3A_43 = arith.addi %get3A_41, %add3A_42 : vector<16xi32>
    %swap3A_44 = arith.constant 64 : index
    %swap3A_45 = tpu.vector_load %arg5[%swap3A_44] {strides = array<i32>} : memref<128xi32, #tpu.memory_space<vmem>>, vector<16xi32>,
    %swap3A_46 = vector.shape_cast %swap3A_45 : vector<16xi32> to vector<16xi32>
    %swap3A_47 = vector.shape_cast %add3A_43 : vector<16xi32> to vector<16xi32>
    tpu.vector_store %arg5[%swap3A_44], %swap3A_47 {strides = array<i32>} : memref<128xi32, #tpu.memory_space<vmem>>, vector<16xi32>,
    %get3A_48 = arith.constant 80 : index
    %get3A_49 = tpu.vector_load %arg5[%get3A_48] {strides = array<i32>} : memref<128xi32, #tpu.memory_space<vmem>>, vector<16xi32>,
    %get3A_50 = vector.shape_cast %get3A_49 : vector<16xi32> to vector<16xi32>
    %add3A_51 = vector.broadcast %mul3A_4 : i32 to vector<16xi32>
    %add3A_52 = arith.addi %get3A_50, %add3A_51 : vector<16xi32>
    %swap3A_53 = arith.constant 80 : index
    %swap3A_54 = tpu.vector_load %arg5[%swap3A_53] {strides = array<i32>} : memref<128xi32, #tpu.memory_space<vmem>>, vector<16xi32>,
    %swap3A_55 = vector.shape_cast %swap3A_54 : vector<16xi32> to vector<16xi32>
    %swap3A_56 = vector.shape_cast %add3A_52 : vector<16xi32> to vector<16xi32>
    tpu.vector_store %arg5[%swap3A_53], %swap3A_56 {strides = array<i32>} : memref<128xi32, #tpu.memory_space<vmem>>, vector<16xi32>,
    %get3A_57 = arith.constant 96 : index
    %get3A_58 = tpu.vector_load %arg5[%get3A_57] {strides = array<i32>} : memref<128xi32, #tpu.memory_space<vmem>>, vector<16xi32>,
    %get3A_59 = vector.shape_cast %get3A_58 : vector<16xi32> to vector<16xi32>
    %add3A_60 = vector.broadcast %mul3A_4 : i32 to vector<16xi32>
    %add3A_61 = arith.addi %get3A_59, %add3A_60 : vector<16xi32>
    %swap3A_62 = arith.constant 96 : index
    %swap3A_63 = tpu.vector_load %arg5[%swap3A_62] {strides = array<i32>} : memref<128xi32, #tpu.memory_space<vmem>>, vector<16xi32>,
    %swap3A_64 = vector.shape_cast %swap3A_63 : vector<16xi32> to vector<16xi32>
    %swap3A_65 = vector.shape_cast %add3A_61 : vector<16xi32> to vector<16xi32>
    tpu.vector_store %arg5[%swap3A_62], %swap3A_65 {strides = array<i32>} : memref<128xi32, #tpu.memory_space<vmem>>, vector<16xi32>,
    %get3A_66 = arith.constant 112 : index
    %get3A_67 = tpu.vector_load %arg5[%get3A_66] {strides = array<i32>} : memref<128xi32, #tpu.memory_space<vmem>>, vector<16xi32>,
    %get3A_68 = vector.shape_cast %get3A_67 : vector<16xi32> to vector<16xi32>
    %add3A_69 = vector.broadcast %mul3A_4 : i32 to vector<16xi32>
    %add3A_70 = arith.addi %get3A_68, %add3A_69 : vector<16xi32>
    %swap3A_71 = arith.constant 112 : index
    %swap3A_72 = tpu.vector_load %arg5[%swap3A_71] {strides = array<i32>} : memref<128xi32, #tpu.memory_space<vmem>>, vector<16xi32>,
    %swap3A_73 = vector.shape_cast %swap3A_72 : vector<16xi32> to vector<16xi32>
    %swap3A_74 = vector.shape_cast %add3A_70 : vector<16xi32> to vector<16xi32>
    tpu.vector_store %arg5[%swap3A_71], %swap3A_74 {strides = array<i32>} : memref<128xi32, #tpu.memory_space<vmem>>, vector<16xi32>,
    %dma_start3A = arith.constant 0 : i32
    %dma_start3A_75 = tpu.memref_slice %arg5[%dma_start3A] : memref<128xi32, #tpu.memory_space<vmem>> -> memref<64xi32, #tpu.memory_space<vmem>>
    %dma_start3A_76 = arith.constant 0 : i32
    %dma_start3A_77 = arith.constant 0 : i32
    %dma_start3A_78 = tpu.memref_slice %arg3[%dma_start3A_76, %dma_start3A_77] : memref<2048x256xf32, #tpu.memory_space<hbm>> -> memref<2048x256xf32, #tpu.memory_space<hbm>>
    tpu.enqueue_indirect_dma source(%dma_start3A_78 : memref<2048x256xf32, #tpu.memory_space<hbm>>) target(%arg6 : memref<64x256xf32, #tpu.memory_space<vmem>>) offsets(%dma_start3A_75 : memref<64xi32, #tpu.memory_space<vmem>>) semaphore(%arg10 : memref<!tpu.dma_semaphore, #tpu.memory_space<semaphore_mem>>)
    %dma_start3A_79 = arith.constant 64 : i32
    %dma_start3A_80 = tpu.memref_slice %arg5[%dma_start3A_79] : memref<128xi32, #tpu.memory_space<vmem>> -> memref<64xi32, #tpu.memory_space<vmem>>
    %dma_start3A_81 = arith.constant 0 : i32
    %dma_start3A_82 = arith.constant 0 : i32
    %dma_start3A_83 = tpu.memref_slice %arg3[%dma_start3A_81, %dma_start3A_82] : memref<2048x256xf32, #tpu.memory_space<hbm>> -> memref<2048x256xf32, #tpu.memory_space<hbm>>
    tpu.enqueue_indirect_dma source(%dma_start3A_83 : memref<2048x256xf32, #tpu.memory_space<hbm>>) target(%arg7 : memref<64x256xf32, #tpu.memory_space<vmem>>) offsets(%dma_start3A_80 : memref<64xi32, #tpu.memory_space<vmem>>) semaphore(%arg11 : memref<!tpu.dma_semaphore, #tpu.memory_space<semaphore_mem>>)
    %dma_wait3A = arith.constant 0 : i32
    %dma_wait3A_84 = tpu.memref_slice %arg5[%dma_wait3A] : memref<128xi32, #tpu.memory_space<vmem>> -> memref<64xi32, #tpu.memory_space<vmem>>
    %dma_wait3A_85 = arith.constant 0 : i32
    %dma_wait3A_86 = arith.constant 0 : i32
    %dma_wait3A_87 = tpu.memref_slice %arg3[%dma_wait3A_85, %dma_wait3A_86] : memref<2048x256xf32, #tpu.memory_space<hbm>> -> memref<2048x256xf32, #tpu.memory_space<hbm>>
    tpu.wait_indirect_dma semaphore(%arg10 : memref<!tpu.dma_semaphore, #tpu.memory_space<semaphore_mem>>) src(%dma_wait3A_87 : memref<2048x256xf32, #tpu.memory_space<hbm>>) dst(%arg6 : memref<64x256xf32, #tpu.memory_space<vmem>>)
    %add3A_88 = arith.constant 0 : i32
    %add3A_89 = arith.addi %mul3A_2, %add3A_88 : i32
    %dma_start3A_90 = arith.constant 0 : i32
    %dma_start3A_91 = tpu.memref_slice %arg4[%add3A_89, %dma_start3A_90] : memref<4096x256xf32, #tpu.memory_space<hbm>> -> memref<64x256xf32, #tpu.memory_space<hbm>>
    %dma_start3A_92 = arith.constant 0 : i32
    %dma_start3A_93 = tpu.memref_slice %arg4[%add3A_89, %dma_start3A_92] : memref<4096x256xf32, #tpu.memory_space<hbm>> -> memref<64x256xf32, #tpu.memory_space<hbm>>
    tpu.enqueue_dma source(%arg6 : memref<64x256xf32, #tpu.memory_space<vmem>>) target(%dma_start3A_93 : memref<64x256xf32, #tpu.memory_space<hbm>>) target_semaphore(%arg14 : memref<!tpu.dma_semaphore, #tpu.memory_space<semaphore_mem>>)
    %dma_wait3A_94 = arith.constant 64 : i32
    %dma_wait3A_95 = tpu.memref_slice %arg5[%dma_wait3A_94] : memref<128xi32, #tpu.memory_space<vmem>> -> memref<64xi32, #tpu.memory_space<vmem>>
    %dma_wait3A_96 = arith.constant 0 : i32
    %dma_wait3A_97 = arith.constant 0 : i32
    %dma_wait3A_98 = tpu.memref_slice %arg3[%dma_wait3A_96, %dma_wait3A_97] : memref<2048x256xf32, #tpu.memory_space<hbm>> -> memref<2048x256xf32, #tpu.memory_space<hbm>>
    tpu.wait_indirect_dma semaphore(%arg11 : memref<!tpu.dma_semaphore, #tpu.memory_space<semaphore_mem>>) src(%dma_wait3A_98 : memref<2048x256xf32, #tpu.memory_space<hbm>>) dst(%arg7 : memref<64x256xf32, #tpu.memory_space<vmem>>)
    %add3A_99 = arith.constant 64 : i32
    %add3A_100 = arith.addi %mul3A_2, %add3A_99 : i32
    %dma_start3A_101 = arith.constant 0 : i32
    %dma_start3A_102 = tpu.memref_slice %arg4[%add3A_100, %dma_start3A_101] : memref<4096x256xf32, #tpu.memory_space<hbm>> -> memref<64x256xf32, #tpu.memory_space<hbm>>
    %dma_start3A_103 = arith.constant 0 : i32
    %dma_start3A_104 = tpu.memref_slice %arg4[%add3A_100, %dma_start3A_103] : memref<4096x256xf32, #tpu.memory_space<hbm>> -> memref<64x256xf32, #tpu.memory_space<hbm>>
    tpu.enqueue_dma source(%arg7 : memref<64x256xf32, #tpu.memory_space<vmem>>) target(%dma_start3A_104 : memref<64x256xf32, #tpu.memory_space<hbm>>) target_semaphore(%arg15 : memref<!tpu.dma_semaphore, #tpu.memory_space<semaphore_mem>>)
    %dma_wait3A_105 = arith.constant 0 : i32
    %dma_wait3A_106 = tpu.memref_slice %arg4[%add3A_89, %dma_wait3A_105] : memref<4096x256xf32, #tpu.memory_space<hbm>> -> memref<64x256xf32, #tpu.memory_space<hbm>>
    %dma_wait3A_107 = arith.constant 0 : i32
    %dma_wait3A_108 = tpu.memref_slice %arg4[%add3A_89, %dma_wait3A_107] : memref<4096x256xf32, #tpu.memory_space<hbm>> -> memref<64x256xf32, #tpu.memory_space<hbm>>
    tpu.wait_dma2 semaphore(%arg14 : memref<!tpu.dma_semaphore, #tpu.memory_space<semaphore_mem>>) src(%arg6 : memref<64x256xf32, #tpu.memory_space<vmem>>) dst(%dma_wait3A_108 : memref<64x256xf32, #tpu.memory_space<hbm>>)
    %dma_wait3A_109 = arith.constant 0 : i32
    %dma_wait3A_110 = tpu.memref_slice %arg4[%add3A_100, %dma_wait3A_109] : memref<4096x256xf32, #tpu.memory_space<hbm>> -> memref<64x256xf32, #tpu.memory_space<hbm>>
    %dma_wait3A_111 = arith.constant 0 : i32
    %dma_wait3A_112 = tpu.memref_slice %arg4[%add3A_100, %dma_wait3A_111] : memref<4096x256xf32, #tpu.memory_space<hbm>> -> memref<64x256xf32, #tpu.memory_space<hbm>>
    tpu.wait_dma2 semaphore(%arg15 : memref<!tpu.dma_semaphore, #tpu.memory_space<semaphore_mem>>) src(%arg7 : memref<64x256xf32, #tpu.memory_space<vmem>>) dst(%dma_wait3A_112 : memref<64x256xf32, #tpu.memory_space<hbm>>)
    return
  }
}

module attributes {stable_mosaic.version = 14 : i64} {
  func.func @_mlp_table_kernel(%arg0: memref<64x128xf32, #tpu.memory_space<vmem>>, %arg1: memref<128x256xf32, #tpu.memory_space<vmem>>, %arg2: memref<1x256xf32, #tpu.memory_space<vmem>>, %arg3: memref<256x256xf32, #tpu.memory_space<vmem>>, %arg4: memref<1x256xf32, #tpu.memory_space<vmem>>, %arg5: memref<2048x256xf32, #tpu.memory_space<vmem>>) attributes {dimension_semantics = [], scalar_prefetch = 0 : i64, scratch_operands = 0 : i64, tpu.core_type = #tpu.core_type<tc>} {
    %get3A = arith.constant 0 : index
    %get3A_0 = arith.constant 0 : index
    %get3A_1 = vector.load %arg0[%get3A, %get3A_0] : memref<64x128xf32, #tpu.memory_space<vmem>>, vector<64x128xf32>
    %get3A_2 = arith.constant 0 : index
    %get3A_3 = arith.constant 0 : index
    %get3A_4 = vector.load %arg1[%get3A_2, %get3A_3] : memref<128x256xf32, #tpu.memory_space<vmem>>, vector<128x256xf32>
    %dot_general3A = arith.constant dense<0.000000e+00> : vector<64x256xf32>
    %dot_general3A_5 = tpu.matmul %get3A_1, %get3A_4, %dot_general3A {dimension_numbers = #tpu.dot_dimension_numbers<[1], [0], [0], [1], [0, 0, 1, 1], [], []>, transpose_lhs_hint = false} : vector<64x128xf32>, vector<128x256xf32>, vector<64x256xf32> -> vector<64x256xf32>
    %get3A_6 = arith.constant 0 : index
    %get3A_7 = arith.constant 0 : index
    %get3A_8 = vector.load %arg2[%get3A_6, %get3A_7] : memref<1x256xf32, #tpu.memory_space<vmem>>, vector<1x256xf32>
    %add3A = vector.broadcast %get3A_8 : vector<1x256xf32> to vector<64x256xf32>
    %add3A_9 = arith.addf %dot_general3A_5, %add3A : vector<64x256xf32>
    %integer_pow3A = arith.mulf %add3A_9, %add3A_9 : vector<64x256xf32>
    %integer_pow3A_10 = arith.mulf %add3A_9, %integer_pow3A : vector<64x256xf32>
    %mul3A = arith.constant 4.471500e-02 : f32
    %mul3A_11 = vector.broadcast %mul3A : f32 to vector<64x256xf32>
    %mul3A_12 = arith.mulf %mul3A_11, %integer_pow3A_10 : vector<64x256xf32>
    %add3A_13 = arith.addf %add3A_9, %mul3A_12 : vector<64x256xf32>
    %mul3A_14 = arith.constant 0.797884583 : f32
    %mul3A_15 = vector.broadcast %mul3A_14 : f32 to vector<64x256xf32>
    %mul3A_16 = arith.mulf %mul3A_15, %add3A_13 : vector<64x256xf32>
    %tanh3A = math.tanh %mul3A_16 : vector<64x256xf32>
    %add3A_17 = arith.constant 1.000000e+00 : f32
    %add3A_18 = vector.broadcast %add3A_17 : f32 to vector<64x256xf32>
    %add3A_19 = arith.addf %add3A_18, %tanh3A : vector<64x256xf32>
    %mul3A_20 = arith.constant 5.000000e-01 : f32
    %mul3A_21 = vector.broadcast %mul3A_20 : f32 to vector<64x256xf32>
    %mul3A_22 = arith.mulf %mul3A_21, %add3A_19 : vector<64x256xf32>
    %mul3A_23 = arith.mulf %add3A_9, %mul3A_22 : vector<64x256xf32>
    %get3A_24 = arith.constant 0 : index
    %get3A_25 = arith.constant 0 : index
    %get3A_26 = vector.load %arg3[%get3A_24, %get3A_25] : memref<256x256xf32, #tpu.memory_space<vmem>>, vector<256x256xf32>
    %dot_general3A_27 = arith.constant dense<0.000000e+00> : vector<64x256xf32>
    %dot_general3A_28 = tpu.matmul %mul3A_23, %get3A_26, %dot_general3A_27 {dimension_numbers = #tpu.dot_dimension_numbers<[1], [0], [0], [1], [0, 0, 1, 1], [], []>, transpose_lhs_hint = false} : vector<64x256xf32>, vector<256x256xf32>, vector<64x256xf32> -> vector<64x256xf32>
    %get3A_29 = arith.constant 0 : index
    %get3A_30 = arith.constant 0 : index
    %get3A_31 = vector.load %arg4[%get3A_29, %get3A_30] : memref<1x256xf32, #tpu.memory_space<vmem>>, vector<1x256xf32>
    %add3A_32 = vector.broadcast %get3A_31 : vector<1x256xf32> to vector<64x256xf32>
    %add3A_33 = arith.addf %dot_general3A_28, %add3A_32 : vector<64x256xf32>
    %broadcast_in_dim3A = vector.shape_cast %add3A_33 : vector<64x256xf32> to vector<1x64x256xf32>
    %broadcast_in_dim3A_34 = vector.shape_cast %broadcast_in_dim3A : vector<1x64x256xf32> to vector<1x64x256xf32>
    %broadcast_in_dim3A_35 = vector.broadcast %broadcast_in_dim3A_34 : vector<1x64x256xf32> to vector<32x64x256xf32>
    %reshape3A = vector.shape_cast %broadcast_in_dim3A_35 : vector<32x64x256xf32> to vector<2048x256xf32>
    %swap3A = arith.constant 0 : index
    %swap3A_36 = arith.constant 0 : index
    %swap3A_37 = vector.load %arg5[%swap3A, %swap3A_36] : memref<2048x256xf32, #tpu.memory_space<vmem>>, vector<2048x256xf32>
    tpu.vector_store %arg5[%swap3A, %swap3A_36], %reshape3A {strides = array<i32>} : memref<2048x256xf32, #tpu.memory_space<vmem>>, vector<2048x256xf32>,
    return
  }
}

module attributes {stable_mosaic.version = 14 : i64} {
  func.func @_onehot_kernel(%arg0: i32, %arg1: memref<32x128xi32, #tpu.memory_space<vmem>>, %arg2: memref<64x128xf32, #tpu.memory_space<vmem>>, %arg3: memref<128x256xf32, #tpu.memory_space<vmem>>, %arg4: memref<1x256xf32, #tpu.memory_space<vmem>>, %arg5: memref<256x256xf32, #tpu.memory_space<vmem>>, %arg6: memref<1x256xf32, #tpu.memory_space<vmem>>, %arg7: memref<4096x256xf32, #tpu.memory_space<vmem>>, %arg8: memref<64x256xf32, #tpu.memory_space<vmem>>) attributes {dimension_semantics = [#tpu.dimension_semantics<arbitrary>], iteration_bounds = array<i64: 15>, scalar_prefetch = 0 : i64, scratch_operands = 1 : i64, tpu.core_type = #tpu.core_type<tc>, window_params = [{transform_indices = @transform_0, window_bounds = array<i64: 32, 128>}, {pipeline_mode = #tpu.pipeline_mode<synchronous>, transform_indices = @transform_1, window_bounds = array<i64: 64, 128>}, {pipeline_mode = #tpu.pipeline_mode<synchronous>, transform_indices = @transform_2, window_bounds = array<i64: 128, 256>}, {pipeline_mode = #tpu.pipeline_mode<synchronous>, transform_indices = @transform_3, window_bounds = array<i64: 1, 256>}, {pipeline_mode = #tpu.pipeline_mode<synchronous>, transform_indices = @transform_4, window_bounds = array<i64: 256, 256>}, {pipeline_mode = #tpu.pipeline_mode<synchronous>, transform_indices = @transform_5, window_bounds = array<i64: 1, 256>}, {transform_indices = @transform_6, window_bounds = array<i64: 4096, 256>}]} {
    %eq3A = arith.constant 0 : i32
    %eq3A_0 = arith.cmpi eq, %arg0, %eq3A : i32
    %convert_element_type3A = arith.extui %eq3A_0 : i1 to i32
    %cond3A = arith.constant 0 : i32
    %cond3A_1 = arith.cmpi ne, %convert_element_type3A, %cond3A : i32
    scf.if %cond3A_1 {
      %get3A_14 = arith.constant 0 : index
      %get3A_15 = arith.constant 0 : index
      %get3A_16 = vector.load %arg2[%get3A_14, %get3A_15] : memref<64x128xf32, #tpu.memory_space<vmem>>, vector<64x128xf32>
      %get3A_17 = arith.constant 0 : index
      %get3A_18 = arith.constant 0 : index
      %get3A_19 = vector.load %arg3[%get3A_17, %get3A_18] : memref<128x256xf32, #tpu.memory_space<vmem>>, vector<128x256xf32>
      %dot_general3A_20 = arith.constant dense<0.000000e+00> : vector<64x256xf32>
      %dot_general3A_21 = tpu.matmul %get3A_16, %get3A_19, %dot_general3A_20 {dimension_numbers = #tpu.dot_dimension_numbers<[1], [0], [0], [1], [0, 0, 1, 1], [], []>, transpose_lhs_hint = false} : vector<64x128xf32>, vector<128x256xf32>, vector<64x256xf32> -> vector<64x256xf32>
      %get3A_22 = arith.constant 0 : index
      %get3A_23 = arith.constant 0 : index
      %get3A_24 = vector.load %arg4[%get3A_22, %get3A_23] : memref<1x256xf32, #tpu.memory_space<vmem>>, vector<1x256xf32>
      %add3A = vector.broadcast %get3A_24 : vector<1x256xf32> to vector<64x256xf32>
      %add3A_25 = arith.addf %dot_general3A_21, %add3A : vector<64x256xf32>
      %integer_pow3A = arith.mulf %add3A_25, %add3A_25 : vector<64x256xf32>
      %integer_pow3A_26 = arith.mulf %add3A_25, %integer_pow3A : vector<64x256xf32>
      %mul3A = arith.constant 4.471500e-02 : f32
      %mul3A_27 = vector.broadcast %mul3A : f32 to vector<64x256xf32>
      %mul3A_28 = arith.mulf %mul3A_27, %integer_pow3A_26 : vector<64x256xf32>
      %add3A_29 = arith.addf %add3A_25, %mul3A_28 : vector<64x256xf32>
      %mul3A_30 = arith.constant 0.797884583 : f32
      %mul3A_31 = vector.broadcast %mul3A_30 : f32 to vector<64x256xf32>
      %mul3A_32 = arith.mulf %mul3A_31, %add3A_29 : vector<64x256xf32>
      %tanh3A = math.tanh %mul3A_32 : vector<64x256xf32>
      %add3A_33 = arith.constant 1.000000e+00 : f32
      %add3A_34 = vector.broadcast %add3A_33 : f32 to vector<64x256xf32>
      %add3A_35 = arith.addf %add3A_34, %tanh3A : vector<64x256xf32>
      %mul3A_36 = arith.constant 5.000000e-01 : f32
      %mul3A_37 = vector.broadcast %mul3A_36 : f32 to vector<64x256xf32>
      %mul3A_38 = arith.mulf %mul3A_37, %add3A_35 : vector<64x256xf32>
      %mul3A_39 = arith.mulf %add3A_25, %mul3A_38 : vector<64x256xf32>
      %get3A_40 = arith.constant 0 : index
      %get3A_41 = arith.constant 0 : index
      %get3A_42 = vector.load %arg5[%get3A_40, %get3A_41] : memref<256x256xf32, #tpu.memory_space<vmem>>, vector<256x256xf32>
      %dot_general3A_43 = arith.constant dense<0.000000e+00> : vector<64x256xf32>
      %dot_general3A_44 = tpu.matmul %mul3A_39, %get3A_42, %dot_general3A_43 {dimension_numbers = #tpu.dot_dimension_numbers<[1], [0], [0], [1], [0, 0, 1, 1], [], []>, transpose_lhs_hint = false} : vector<64x256xf32>, vector<256x256xf32>, vector<64x256xf32> -> vector<64x256xf32>
      %get3A_45 = arith.constant 0 : index
      %get3A_46 = arith.constant 0 : index
      %get3A_47 = vector.load %arg6[%get3A_45, %get3A_46] : memref<1x256xf32, #tpu.memory_space<vmem>>, vector<1x256xf32>
      %add3A_48 = vector.broadcast %get3A_47 : vector<1x256xf32> to vector<64x256xf32>
      %add3A_49 = arith.addf %dot_general3A_44, %add3A_48 : vector<64x256xf32>
      %swap3A_50 = arith.constant 0 : index
      %swap3A_51 = arith.constant 0 : index
      %swap3A_52 = vector.load %arg8[%swap3A_50, %swap3A_51] : memref<64x256xf32, #tpu.memory_space<vmem>>, vector<64x256xf32>
      tpu.vector_store %arg8[%swap3A_50, %swap3A_51], %add3A_49 {strides = array<i32>} : memref<64x256xf32, #tpu.memory_space<vmem>>, vector<64x256xf32>,
    } else {
    }
    %get3A = arith.constant 0 : index
    %get3A_2 = arith.constant 0 : index
    %get3A_3 = vector.load %arg1[%get3A, %get3A_2] : memref<32x128xi32, #tpu.memory_space<vmem>>, vector<32x128xi32>
    %broadcast_in_dim3A = vector.shape_cast %get3A_3 : vector<32x128xi32> to vector<32x128x1xi32>
    %iota3A = tpu.iota {dimensions = array<i32: 2>} : vector<32x128x64xi32>
    %eq3A_4 = vector.broadcast %broadcast_in_dim3A : vector<32x128x1xi32> to vector<32x128x64xi32>
    %eq3A_5 = arith.cmpi eq, %eq3A_4, %iota3A : vector<32x128x64xi32>
    %convert_element_type3A_6 = arith.extui %eq3A_5 : vector<32x128x64xi1> to vector<32x128x64xi32>
    %convert_element_type3A_7 = arith.sitofp %convert_element_type3A_6 : vector<32x128x64xi32> to vector<32x128x64xf32>
    %reshape3A = vector.shape_cast %convert_element_type3A_7 : vector<32x128x64xf32> to vector<4096x64xf32>
    %get3A_8 = arith.constant 0 : index
    %get3A_9 = arith.constant 0 : index
    %get3A_10 = vector.load %arg8[%get3A_8, %get3A_9] : memref<64x256xf32, #tpu.memory_space<vmem>>, vector<64x256xf32>
    %dot_general3A = arith.constant dense<0.000000e+00> : vector<4096x256xf32>
    %dot_general3A_11 = tpu.matmul %reshape3A, %get3A_10, %dot_general3A {dimension_numbers = #tpu.dot_dimension_numbers<[1], [0], [0], [1], [0, 0, 1, 1], [], []>, transpose_lhs_hint = false} : vector<4096x64xf32>, vector<64x256xf32>, vector<4096x256xf32> -> vector<4096x256xf32>
    %swap3A = arith.constant 0 : index
    %swap3A_12 = arith.constant 0 : index
    %swap3A_13 = vector.load %arg7[%swap3A, %swap3A_12] : memref<4096x256xf32, #tpu.memory_space<vmem>>, vector<4096x256xf32>
    tpu.vector_store %arg7[%swap3A, %swap3A_12], %dot_general3A_11 {strides = array<i32>} : memref<4096x256xf32, #tpu.memory_space<vmem>>, vector<4096x256xf32>,
    return
  }
  func.func @transform_0(%arg0: i32) -> (i32, i32) {
    %add3A = arith.constant 1 : i32
    %add3A_0 = arith.addi %add3A, %arg0 : i32
    %c0_i32 = arith.constant 0 : i32
    %c0_i32_1 = arith.constant 0 : i32
    return %add3A_0, %c0_i32 : i32, i32
  }
  func.func @transform_1(%arg0: i32) -> (i32, i32) {
    %c0_i32 = arith.constant 0 : i32
    %c0_i32_0 = arith.constant 0 : i32
    %c0_i32_1 = arith.constant 0 : i32
    return %c0_i32, %c0_i32_0 : i32, i32
  }
  func.func @transform_2(%arg0: i32) -> (i32, i32) {
    %c0_i32 = arith.constant 0 : i32
    %c0_i32_0 = arith.constant 0 : i32
    %c0_i32_1 = arith.constant 0 : i32
    return %c0_i32, %c0_i32_0 : i32, i32
  }
  func.func @transform_3(%arg0: i32) -> (i32, i32) {
    %c0_i32 = arith.constant 0 : i32
    %c0_i32_0 = arith.constant 0 : i32
    %c0_i32_1 = arith.constant 0 : i32
    return %c0_i32, %c0_i32_0 : i32, i32
  }
  func.func @transform_4(%arg0: i32) -> (i32, i32) {
    %c0_i32 = arith.constant 0 : i32
    %c0_i32_0 = arith.constant 0 : i32
    %c0_i32_1 = arith.constant 0 : i32
    return %c0_i32, %c0_i32_0 : i32, i32
  }
  func.func @transform_5(%arg0: i32) -> (i32, i32) {
    %c0_i32 = arith.constant 0 : i32
    %c0_i32_0 = arith.constant 0 : i32
    %c0_i32_1 = arith.constant 0 : i32
    return %c0_i32, %c0_i32_0 : i32, i32
  }
  func.func @transform_6(%arg0: i32) -> (i32, i32) {
    %add3A = arith.constant 1 : i32
    %add3A_0 = arith.addi %add3A, %arg0 : i32
    %c0_i32 = arith.constant 0 : i32
    %c0_i32_1 = arith.constant 0 : i32
    return %add3A_0, %c0_i32 : i32, i32
  }
}

</mosaic_0001>

<sc_bundles>
// kernel: kernel.5.cloned.1.call-start
scs
__scs_entry_jumppad:
0x0: {  	(pc) =	sbr.rel $0x88, $3  }
0x1: {  	(tag) =	ssettag $0x0;
	lr =	simm.s32 $0x1  }
0x2: {  	[smem:$0x3F9B] =	sst lr;
	_ =	strace $0xD0000000  }
0x3: {  	_ = 	snop  }
0x4: {  	_ = 	snop  }
0x5: {  	_ = 	snop  }
0x6: {  	_ = 	snop  }
0x7: {  	_ = 	snop  }
__scs_overlays_trampoline_lowered:
0x8: {  	[smem:$0x3FAA] =	sst s0  }
0x9: {  	[smem:$0x3FAB] =	sst s1  }
0xa: {  	[smem:$0x3FAC] =	sst s2  }
0xb: {  	[smem:$0x3FAD] =	sst s3  }
0xc: {  	[smem:$0x3FAE] =	sst s4  }
0xd: {  	[smem:$0x3FAF] =	sst s5  }
0xe: {  	[smem:$0x3FB0] =	sst s6  }
0xf: {  	[smem:$0x3FB1] =	sst s7  }
0x10: {  	[smem:$0x3FB2] =	sst s8  }
0x11: {  	[smem:$0x3FB3] =	sst s9;
	s0 =	simm.s32 @!p0 $0x0  }
0x12: {  	s1 =	sld [smem:$0x3F99];
	s0 =	simm.s32 @p0 $0x1  }
0x13: {  	[smem:$0x3FB4] =	sst s0;
	s0 =	simm.s32 @!p1 $0x0  }
0x14: {  	s2 =	sld [smem:$0x3F98];
	s0 =	simm.s32 @p1 $0x1  }
0x15: {  	[smem:$0x3FB5] =	sst s0;
	s0 =	simm.s32 @!p2 $0x0  }
0x16: {  	s3 =	sld [smem:$0x3FDB];
	s0 =	simm.s32 @p2 $0x1  }
0x17: {  	s4 =	simm.s32 $0x1BF5;
	[smem:$0x3FB7] =	sst s0  }
0x18: {  	s0 =	sld [smem:$0x3F9A];
	_ =	swait.ge [sflag:s4], $0x0  }
0x19: {  	s7 =	sld [smem:$0x3F9B]  }
0x1a: {  	s8 =	sadd.s32 $0xFFFFE003, lr  }
0x1b: {  	s9 =	sadd.s32 $0xFFFFFEF7, lr;
	s5 =	simm.s32 $0xFFFFFFFF;
	p2 =	slt.u32 s8, $0xFFFFF086  }
0x1c: {  	p1 =	slt.u32 s9, $0xF7A;
	s5 =	simm.s32 @!p2 $0x0  }
0x1d: {  	s5 =	simm.s32 @p1 $0x1;
	p0 =	seq.s32 s7, s2  }
0x1e: {  	s7 =	smul.u32 @!p0 $0xF7A, s2;
	p2 =	seq.s32 @!p0 s5, $0x0  }
0x1f: {  	s9 =	smul.u32 $0xF7A, s1;
	s8 =	simm.s32 @!p0 $0x1BF5;
	p2 =	por !p2, p0  }
0x20: {  	[sflag:s8] =	ssyncset.s32 @!p0 $0xFFFFF086;
	s6 =	sadd.s32 @!p0 s3, s7;
	s7 =	simm.s32 @!p0 $0x108  }
0x21: {  	s3 =	sadd.s32 s3, s9;
	s6 =	sadd.s32 @!p0 $0x88, s6;
	s7 =	simm.s32 @p2 $0x1082  }
0x22: {  	[simem:s7], [sflag:s8] =	dma.local @!p0 [hbm:s6], $0xF7A  }
0x23: {  	s9 =	sor.u32 $0xD0000000, s2;
	s6 =	simm.s32 $0x108;
	_ =	swait.ge @!p0 [sflag:s8], $0x0  }
0x24: {  	s3 =	sadd.s32 $0x88, s3;
	s6 =	simm.s32 @!p1 $0x1082;
	[sflag:s4] =	ssyncset.s32 $0xFFFFF086  }
0x25: {  	[simem:s6], [sflag:s4] =	dma.local [hbm:s3], $0xF7A  }
0x26: {  	[smem:$0x3F9B] =	sst s1;
	(tag) =	ssettag s2;
	_ =	strace s9  }
0x27: {  	s1 =	sld [smem:$0x3FAB]  }
0x28: {  	s2 =	sld [smem:$0x3FAC]  }
0x29: {  	s4 =	sld [smem:$0x3FAE]  }
0x2a: {  	p0 =	seq.s32 s5, $0x0;
	s5 =	sld [smem:$0x3FAF]  }
0x2b: {  	s6 =	sld [smem:$0x3FB0]  }
0x2c: {  	s7 =	sld [smem:$0x3FB1]  }
0x2d: {  	s3 =	simm.s32 $0x108;
	s8 =	sld [smem:$0x3FB2]  }
0x2e: {  	s3 =	simm.s32 @!p0 $0x1082;
	s9 =	sld [smem:$0x3FB3]  }
0x2f: {  	lr =	sadd.s32 s0, s3;
	s0 =	sld [smem:$0x3FAA]  }
0x30: {  	s3 =	sld [smem:$0x3FAD]  }
0x31: {  	[smem:$0x3FB6] =	sst s10  }
0x32: {  	s10 =	sld [smem:$0x3FB4];
	_ =	sdelay $0x3  }
0x33: {  	p0 =	seq.s32 s10, $0x1;
	s10 =	sld [smem:$0x3FB6];
	_ =	sdelay $0x3  }
0x34: {  	[smem:$0x3FB6] =	sst s10  }
0x35: {  	s10 =	sld [smem:$0x3FB5];
	_ =	sdelay $0x3  }
0x36: {  	p1 =	seq.s32 s10, $0x1;
	s10 =	sld [smem:$0x3FB6];
	_ =	sdelay $0x3  }
0x37: {  	[smem:$0x3FB6] =	sst s10  }
0x38: {  	s10 =	sld [smem:$0x3FB7]  }
0x39: {  	_ = 	snop;
	(pc) =	sbr.ind lr, $3  }
0x3a: {  	_ = 	snop  }
0x3b: {  	_ = 	snop  }
0x3c: {  	p2 =	seq.s32 s10, $0x1;
	s10 =	sld [smem:$0x3FB6]  }
0x3d: {  	_ =	shalt  }
0x3e: {  	_ =	shalt  }
0x3f: {  	_ =	shalt  }
0x40: {  	_ =	shalt  }
0x41: {  	_ =	shalt  }
0x42: {  	_ =	shalt  }
0x43: {  	_ =	shalt  }
0x44: {  	_ =	shalt  }
0x45: {  	_ =	shalt  }
0x46: {  	_ =	shalt  }
0x47: {  	_ =	shalt  }
0x48: {  	_ =	shalt  }
0x49: {  	_ =	shalt  }
0x4a: {  	_ =	shalt  }
0x4b: {  	_ =	shalt  }
0x4c: {  	_ =	shalt  }
0x4d: {  	_ =	shalt  }
0x4e: {  	_ =	shalt  }
0x4f: {  	_ =	shalt  }
0x50: {  	_ =	shalt  }
0x51: {  	_ =	shalt  }
0x52: {  	_ =	shalt  }
0x53: {  	_ =	shalt  }
0x54: {  	_ =	shalt  }
0x55: {  	_ =	shalt  }
0x56: {  	_ =	shalt  }
0x57: {  	_ =	shalt  }
0x58: {  	_ =	shalt  }
0x59: {  	_ =	shalt  }
0x5a: {  	_ =	shalt  }
0x5b: {  	_ =	shalt  }
0x5c: {  	_ =	shalt  }
0x5d: {  	_ =	shalt  }
0x5e: {  	_ =	shalt  }
0x5f: {  	_ =	shalt  }
0x60: {  	_ =	shalt  }
0x61: {  	_ =	shalt  }
0x62: {  	_ =	shalt  }
0x63: {  	_ =	shalt  }
0x64: {  	_ =	shalt  }
0x65: {  	_ =	shalt  }
0x66: {  	_ =	shalt  }
0x67: {  	_ =	shalt  }
0x68: {  	_ =	shalt  }
0x69: {  	_ =	shalt  }
0x6a: {  	_ =	shalt  }
0x6b: {  	_ =	shalt  }
0x6c: {  	_ =	shalt  }
0x6d: {  	_ =	shalt  }
0x6e: {  	_ =	shalt  }
0x6f: {  	_ =	shalt  }
0x70: {  	_ =	shalt  }
0x71: {  	_ =	shalt  }
0x72: {  	_ =	shalt  }
0x73: {  	_ =	shalt  }
0x74: {  	_ =	shalt  }
0x75: {  	_ =	shalt  }
0x76: {  	_ =	shalt  }
0x77: {  	_ =	shalt  }
0x78: {  	_ =	shalt  }
0x79: {  	_ =	shalt  }
0x7a: {  	_ =	shalt  }
0x7b: {  	_ =	shalt  }
0x7c: {  	_ =	shalt  }
0x7d: {  	_ =	shalt  }
0x7e: {  	_ =	shalt  }
0x7f: {  	_ =	shalt  }
0x80: {  	_ =	shalt  }
0x81: {  	_ =	shalt  }
0x82: {  	_ =	shalt  }
0x83: {  	_ =	shalt  }
0x84: {  	_ =	shalt  }
0x85: {  	_ =	shalt  }
0x86: {  	_ =	shalt  }
0x87: {  	_ =	shalt  }
.Lfunc_end0:
.L_simem_size_0:
called_computation_lowered:
.L_overlay_start_0:
0x88: {  	s2 =	sld [smem:$0x3FD9]  }
0x89: {  	s3 =	sld [smem:$0x3FFE];
	_ =	sdelay $0x1  }
0x8a: {  	s1 =	srdreg.scid  }
0x8b: {  	s0 =	sand.u32 $0x1, s1  }
0x8c: {  	s16 =	sshll.u32 s0, $0xA;
	s2 =	sadd.s32 s3, s2  }
0x8d: {  	s2 =	sadd.s32 s2, s16  }
0x8e: {  	[smem:$0x3FC2] =	sst s2  }
0x8f: {  	_ = 	snop  }
0x90: {  	(tm) =	ssettm $0x1  }
0x91: {  	s17 =	sld [smem:$0x3FFB];
	_ =	sdelay $0x3  }
0x92: {  	_ =	strace s17  }
0x93: {  	s2 =	sld [smem:$0x3FFC];
	_ =	sdelay $0x3  }
0x94: {  	_ =	strace s2  }
0x95: {  	s2 =	sld [smem:$0x3FFD];
	_ =	sdelay $0x3  }
0x96: {  	_ =	strace s2  }
0x97: {  	_ =	strace $0x8FFFFFFF  }
0x98: {  	s18 =	sld [smem:$0x3FDB];
	_ =	sdelay $0x1  }
0x99: {  	s19 =	simm.s32 $_scs_section_size  }
0x9a: {  	s4 =	simm.s32 $_size__tile_overlayer_lowered;
	s5 =	simm.s32 $_tile_overlayer_lowered  }
0x9b: {  	s22 =	simm.s32 $0x1BFF;
	s21 =	sshll.u32 s5, $0x1;
	s2 =	sadd.s32 s19, s18  }
0x9c: {  	s6 =	simm.s32 $0x0;
	s20 =	sshll.u32 s4, $0x1;
	s4 =	sadd.s32 s21, s2  }
0x9d: {  	[timem:s6], [sflag:s22] =	dma.local [hbm:s4], s20  }
0x9e: {  	_ =	swait.ge [sflag:s22], s20  }
0x9f: {  	s3 =	ssub.s32 $0x0, s20;
	[sflag:s22] =	ssyncset.done $0x0  }
0xa0: {  	[sflag:s22] =	ssyncadd.s32 s3;
	_ =	sdelay $0x1  }
0xa1: {  	s23 =	simm.s32 $0x1B8B  }
0xa2: {  	_ =	swait.ge [sflag:s23], $0x1  }
0xa3: {  	[sflag:s23] =	ssyncset.done $0x0  }
0xa4: {  	s25 =	simm.s32 $0x1B8E;
	s24 =	sld [smem:$0x3FFE];
	[sflag:s23] =	ssyncadd.s32 $0xFFFFFFFF  }
0xa5: {  	s26 =	simm.s32 $execute0_lowered;
	[smem:$0x3FD2] =	sst s25  }
0xa6: {  	s4 =	sshll.u32 s26, $0x1;
	_ =	strace $0x80000046;
	[dreg:$0x1] =	wrdreg $0xFFFFFFFF  }
0xa7: {  	s28 =	simm.s32 $_size_execute0_lowered;
	s2 =	sadd.s32 s2, s4;
	[dreg:$0x0] =	wrdreg $0x0  }
0xa8: {  	s4 =	sshll.u32 s28, $0x1;
	[dreg:$0x2] =	wrdreg s2  }
0xa9: {  	[dreg:$0x3] =	wrdreg s4  }
0xaa: {  	[dreg:$0x4] =	wrdreg $0xC0  }
0xab: {  	_ =	task [dreg:s6], $0x5FFFF  }
0xac: {  	[dreg:$0x1] =	wrdreg $0xFFFFFFFF  }
0xad: {  	[dreg:$0x0] =	wrdreg $0x60  }
0xae: {  	[dreg:$0x2] =	wrdreg s24  }
0xaf: {  	[dreg:$0x3] =	wrdreg $0x9  }
0xb0: {  	_ =	task.clear_ibuf [dreg:s6], $0x4FFFF;
	_ =	strace $0x90000046  }
0xb1: {  	s29 =	simm.s32 $0x9;
	_ =	strace $0x80000048  }
0xb2: {  	_ =	swait.ge [sflag:s29], $0x1  }
0xb3: {  	[sflag:s29] =	ssyncadd.s32 $0xFFFFFFFF  }
0xb4: {  	_ =	strace $0x90000048  }
0xb5: {  	_ =	sfence  }
0xb6: {  	s30 =	sld [smem:$0x0];
	_ =	sdelay $0x2  }
0xb7: {  	s31 =	sshll.u32 s1, $0xD;
	s1 =	sshrl.u32 s1, $0x2  }
0xb8: {  	s3 =	sand.u32 $0x4000, s31;
	s1 =	sadd.s32 s1, s30  }
0xb9: {  	s0 =	sor.u32 s3, s0;
	s1 =	sshll.u32 s1, $0x11  }
0xba: {  	s0 =	sor.u32 s1, s0  }
0xbb: {  	s0 =	sadd.s32 $0x8F2B, s0  }
0xbc: {  	[sflag:s0] =	ssyncadd.remote.s32 $0x1  }
0xbd: {  	_ =	sfence.sel $0xFFFF  }
0xbe: {  	[dreg:$0x0] =	wrdreg $0xFFFFFFFF;
	(pc) =	sbr.abs _section_cstart, $3  }
0xbf: {  	[dreg:$0x1] =	wrdreg $0xFFFFFFFF  }
0xc0: {  	_ =	task.clear_ibuf [dreg:s6], $0x2FFFF;
	_ =	strace $0x9FFFFFFF  }
0xc1: {  	(tm) =	ssettm $0x7FFFFFFF  }
tec
execute0_lowered:
.L_overlay_start_1:
0x0: {  	(tag) =	ssettag $0x1  }
0x1: {  	s4 =	rddreg [dreg:$0x0]  }
0x2: {  	s0 =	rddreg [dreg:$0x1]  }
0x3: {  	s3 =	srdreg.scid;
	s1 =	stileid.u32;
	s2 =	simm.s32 $0x0  }
0x4: {  	s9 =	simm.s32 $0x80;
	s10 =	simm.s32 $0x880;
	s11 =	simm.s32 $0x1080  }
0x5: {  	s12 =	simm.s32 $0x1880;
	s13 =	simm.s32 $0x2080;
	s14 =	simm.s32 $0x2880  }
0x6: {  	s15 =	simm.s32 $0x3080;
	s16 =	simm.s32 $0x3880;
	s17 =	simm.s32 $0x4080  }
0x7: {  	s18 =	simm.s32 $0x4880;
	s19 =	simm.s32 $0x5080;
	s20 =	simm.s32 $0x5880  }
0x8: {  	s21 =	simm.s32 $0x6080;
	s22 =	simm.s32 $0x6880;
	s24 =	simm.s32 $0x7880  }
0x9: {  	s25 =	simm.s32 $0x1;
	s26 =	simm.s32 $0x2;
	s28 =	simm.s32 $0x3  }
0xa: {  	s3 =	sand.u32 $0x1, s3;
	s5 =	sshll.u32 s1, $0x1;
	[smem:$0x7FF] =	sst s2  }
0xb: {  	s29 =	simm.s32 $0x4;
	s5 =	sor.u32 s3, s5;
	_ =	strace $0x80000047  }
0xc: {  	s8 =	ssub.s32 $0x2, s3;
	s3 =	sadd.s32 $0x3200, s4;
	s6 =	sshll.u32 s5, $0x4  }
0xd: {  	s7 =	sshll.u32 s5, $0xC;
	s31 =	sshrl.u32 s8, $0x1;
	s23 =	sshll.u32 s5, $0x6  }
0xe: {  	v3 =	vlaneseq.u32;
	s6 =	sadd.s32 s6, s4;
	s7 =	sadd.s32 s7, s4;
	s8 =	ssub.s32 s8, s31  }
0xf: {  	vm0 =	vmmov $0xffff;
	v2 =	vshrl.u32 v3, $0x3;
	v0 =	vmov s23;
	s23 =	simm.s32 $0x7080;
	s4 =	sadd.s32 $0x1200, s6;
	s5 =	sadd.s32 $0x13200, s7  }
0x10: {  	v1 =	vand.u32 $0x7, v3;
	v3 =	vor.u32 $0x8, v3;
	v2 =	vmul.u32 $0x8, v2;
	s6 =	sadd.s32 $0x13A00, s7;
	s7 =	smax.u32 s8, $0x1;
	s8 =	simm.s32 $0x5  }
.LBB2_1:
0x11: {  	[tilespmem:s2], [sflag:$0x5] =	stream.linear.gather [hbm4b:s4+s2], $0x80, $0x38;
	[tilespmem:$0x8080] =	vst v63  }
0x12: {  	_ =	swait.ge [sflag:s8], $0x80  }
0x13: {  	[sflag:s8] =	ssyncset.done $0x0  }
0x14: {  	[sflag:s8] =	ssyncadd.s32 $0xFFFFFF80  }
0x15: {  	v4 =	vld [tilespmem:$0x0];
	_ =	sdelay $0x2  }
0x16: {  	v5 =	vld [tilespmem:$0x10]  }
0x17: {  	v6 =	vld [tilespmem:$0x20]  }
0x18: {  	v8 =	vld [tilespmem:$0x30];
	v7 =	vadd.s32 v0, v4  }
0x19: {  	v9 =	vld [tilespmem:$0x40];
	v10 =	vshll.u32 v7, $0x1  }
0x1a: {  	v11 =	vld [tilespmem:$0x50];
	v4 =	vand.u32 $0x7, v4;
	v10 =	vand.u32 $0xFFFFFFF0, v10  }
0x1b: {  	v61 =	vld [tilespmem:$0x60];
	v5 =	vadd.s32 v0, v5;
	[tilespmem:$0x0] =	vst v7;
	v4 =	vor.u32 v4, v10  }
0x1c: {  	v62 =	vld [tilespmem:$0x70];
	[tilespmem:$0x10] =	vst v5;
	v5 =	vadd.s32 v0, v6;
	v10 =	vperm.xlane v4, v1  }
0x1d: {  	[tilespmem:$0x20] =	vst v5;
	v5 =	vadd.s32 v0, v8  }
0x1e: {  	[tilespmem:$0x30] =	vst v5;
	v5 =	vadd.s32 v0, v9;
	v4 =	vperm.xlane v4, v3;
	v63 =	vadd.s32 v2, v10  }
0x1f: {  	[tilespmem:$0x40] =	vst v5;
	v5 =	vadd.s32 v0, v11  }
0x20: {  	[tilespmem:$0x50] =	vst v5;
	v5 =	vadd.s32 v0, v61;
	v4 =	vadd.s32 v2, v4  }
0x21: {  	[tilespmem:$0x60] =	vst v5;
	v5 =	vadd.s32 v0, v62  }
0x22: {  	[tilespmem:$0x70] =	vst v5  }
0x23: {  	[tilespmem:s9], [sflag:$0x1] =	stream.indirect_vreg.gather [hbm4b:s3+s2], $0x80, v63, vm0, $0xb8;
	[tilespmem:$0x8080] =	vst v63  }
0x24: {  	_ = 	snop  }
0x25: {  	[tilespmem:s10], [sflag:$0x1] =	stream.indirect_vreg.gather [hbm4b:s3+s2], $0x80, v4, vm0, $0xb8;
	[tilespmem:$0x8080] =	vst v63  }
0x26: {  	v4 =	vld [tilespmem:$0x10];
	_ =	sdelay $0x4  }
0x27: {  	v5 =	vshll.u32 v4, $0x1  }
0x28: {  	v4 =	vand.u32 $0x7, v4;
	v5 =	vand.u32 $0xFFFFFFF0, v5  }
0x29: {  	v4 =	vor.u32 v4, v5  }
0x2a: {  	v5 =	vperm.xlane v4, v1;
	_ =	sdelay $0x1  }
0x2b: {  	v4 =	vperm.xlane v4, v3;
	v5 =	vadd.s32 v2, v5;
	_ =	sdelay $0x1  }
0x2c: {  	v4 =	vadd.s32 v2, v4;
	_ =	sdelay $0x2  }
0x2d: {  	[tilespmem:s11], [sflag:$0x1] =	stream.indirect_vreg.gather [hbm4b:s3+s2], $0x80, v5, vm0, $0xb8;
	[tilespmem:$0x8080] =	vst v63  }
0x2e: {  	_ = 	snop  }
0x2f: {  	[tilespmem:s12], [sflag:$0x1] =	stream.indirect_vreg.gather [hbm4b:s3+s2], $0x80, v4, vm0, $0xb8;
	[tilespmem:$0x8080] =	vst v63  }
0x30: {  	v4 =	vld [tilespmem:$0x20];
	_ =	sdelay $0x4  }
0x31: {  	v5 =	vshll.u32 v4, $0x1  }
0x32: {  	v4 =	vand.u32 $0x7, v4;
	v5 =	vand.u32 $0xFFFFFFF0, v5  }
0x33: {  	v4 =	vor.u32 v4, v5  }
0x34: {  	v5 =	vperm.xlane v4, v1;
	_ =	sdelay $0x1  }
0x35: {  	v4 =	vperm.xlane v4, v3;
	v5 =	vadd.s32 v2, v5;
	_ =	sdelay $0x1  }
0x36: {  	v4 =	vadd.s32 v2, v4;
	_ =	sdelay $0x2  }
0x37: {  	[tilespmem:s13], [sflag:$0x1] =	stream.indirect_vreg.gather [hbm4b:s3+s2], $0x80, v5, vm0, $0xb8;
	[tilespmem:$0x8080] =	vst v63  }
0x38: {  	_ = 	snop  }
0x39: {  	[tilespmem:s14], [sflag:$0x1] =	stream.indirect_vreg.gather [hbm4b:s3+s2], $0x80, v4, vm0, $0xb8;
	[tilespmem:$0x8080] =	vst v63  }
0x3a: {  	v4 =	vld [tilespmem:$0x30];
	_ =	sdelay $0x4  }
0x3b: {  	v5 =	vshll.u32 v4, $0x1  }
0x3c: {  	v4 =	vand.u32 $0x7, v4;
	v5 =	vand.u32 $0xFFFFFFF0, v5  }
0x3d: {  	v4 =	vor.u32 v4, v5  }
0x3e: {  	v5 =	vperm.xlane v4, v1;
	_ =	sdelay $0x1  }
0x3f: {  	v4 =	vperm.xlane v4, v3;
	v5 =	vadd.s32 v2, v5;
	_ =	sdelay $0x1  }
0x40: {  	v4 =	vadd.s32 v2, v4;
	_ =	sdelay $0x2  }
0x41: {  	[tilespmem:s15], [sflag:$0x1] =	stream.indirect_vreg.gather [hbm4b:s3+s2], $0x80, v5, vm0, $0xb8;
	[tilespmem:$0x8080] =	vst v63  }
0x42: {  	_ = 	snop  }
0x43: {  	[tilespmem:s16], [sflag:$0x1] =	stream.indirect_vreg.gather [hbm4b:s3+s2], $0x80, v4, vm0, $0xb8;
	[tilespmem:$0x8080] =	vst v63  }
0x44: {  	v4 =	vld [tilespmem:$0x40];
	_ =	sdelay $0x4  }
0x45: {  	v5 =	vshll.u32 v4, $0x1  }
0x46: {  	v4 =	vand.u32 $0x7, v4;
	v5 =	vand.u32 $0xFFFFFFF0, v5  }
0x47: {  	v4 =	vor.u32 v4, v5  }
0x48: {  	v5 =	vperm.xlane v4, v1;
	_ =	sdelay $0x1  }
0x49: {  	v4 =	vperm.xlane v4, v3;
	v5 =	vadd.s32 v2, v5;
	_ =	sdelay $0x1  }
0x4a: {  	v4 =	vadd.s32 v2, v4;
	_ =	sdelay $0x2  }
0x4b: {  	[tilespmem:s17], [sflag:$0x2] =	stream.indirect_vreg.gather [hbm4b:s3+s2], $0x80, v5, vm0, $0xb8;
	[tilespmem:$0x8080] =	vst v63  }
0x4c: {  	_ = 	snop  }
0x4d: {  	[tilespmem:s18], [sflag:$0x2] =	stream.indirect_vreg.gather [hbm4b:s3+s2], $0x80, v4, vm0, $0xb8;
	[tilespmem:$0x8080] =	vst v63  }
0x4e: {  	v4 =	vld [tilespmem:$0x50];
	_ =	sdelay $0x4  }
0x4f: {  	v5 =	vshll.u32 v4, $0x1  }
0x50: {  	v4 =	vand.u32 $0x7, v4;
	v5 =	vand.u32 $0xFFFFFFF0, v5  }
0x51: {  	v4 =	vor.u32 v4, v5  }
0x52: {  	v5 =	vperm.xlane v4, v1;
	_ =	sdelay $0x1  }
0x53: {  	v4 =	vperm.xlane v4, v3;
	v5 =	vadd.s32 v2, v5;
	_ =	sdelay $0x1  }
0x54: {  	v4 =	vadd.s32 v2, v4;
	_ =	sdelay $0x2  }
0x55: {  	[tilespmem:s19], [sflag:$0x2] =	stream.indirect_vreg.gather [hbm4b:s3+s2], $0x80, v5, vm0, $0xb8;
	[tilespmem:$0x8080] =	vst v63  }
0x56: {  	_ = 	snop  }
0x57: {  	[tilespmem:s20], [sflag:$0x2] =	stream.indirect_vreg.gather [hbm4b:s3+s2], $0x80, v4, vm0, $0xb8;
	[tilespmem:$0x8080] =	vst v63  }
0x58: {  	v4 =	vld [tilespmem:$0x60];
	_ =	sdelay $0x4  }
0x59: {  	v5 =	vshll.u32 v4, $0x1  }
0x5a: {  	v4 =	vand.u32 $0x7, v4;
	v5 =	vand.u32 $0xFFFFFFF0, v5  }
0x5b: {  	v4 =	vor.u32 v4, v5  }
0x5c: {  	v5 =	vperm.xlane v4, v1;
	_ =	sdelay $0x1  }
0x5d: {  	v4 =	vperm.xlane v4, v3;
	v5 =	vadd.s32 v2, v5;
	_ =	sdelay $0x1  }
0x5e: {  	v4 =	vadd.s32 v2, v4;
	_ =	sdelay $0x2  }
0x5f: {  	[tilespmem:s21], [sflag:$0x2] =	stream.indirect_vreg.gather [hbm4b:s3+s2], $0x80, v5, vm0, $0xb8;
	[tilespmem:$0x8080] =	vst v63  }
0x60: {  	_ = 	snop  }
0x61: {  	[tilespmem:s22], [sflag:$0x2] =	stream.indirect_vreg.gather [hbm4b:s3+s2], $0x80, v4, vm0, $0xb8;
	[tilespmem:$0x8080] =	vst v63  }
0x62: {  	v4 =	vld [tilespmem:$0x70];
	_ =	sdelay $0x4  }
0x63: {  	v5 =	vshll.u32 v4, $0x1  }
0x64: {  	v4 =	vand.u32 $0x7, v4;
	v5 =	vand.u32 $0xFFFFFFF0, v5  }
0x65: {  	v4 =	vor.u32 v4, v5  }
0x66: {  	v5 =	vperm.xlane v4, v1;
	_ =	sdelay $0x1  }
0x67: {  	v4 =	vperm.xlane v4, v3;
	v5 =	vadd.s32 v2, v5;
	_ =	sdelay $0x1  }
0x68: {  	v4 =	vadd.s32 v2, v4;
	_ =	sdelay $0x2  }
0x69: {  	[tilespmem:s23], [sflag:$0x2] =	stream.indirect_vreg.gather [hbm4b:s3+s2], $0x80, v5, vm0, $0xb8;
	[tilespmem:$0x8080] =	vst v63  }
0x6a: {  	_ = 	snop  }
0x6b: {  	[tilespmem:s24], [sflag:$0x2] =	stream.indirect_vreg.gather [hbm4b:s3+s2], $0x80, v4, vm0, $0xb8;
	[tilespmem:$0x8080] =	vst v63  }
0x6c: {  	_ =	swait.ge [sflag:s25], $0x4000  }
0x6d: {  	[sflag:s25] =	ssyncset.done $0x0  }
0x6e: {  	[sflag:s25] =	ssyncadd.s32 $0xFFFFC000  }
0x6f: {  	[hbm4b:s5+s2] =	stream.linear.scatter [tilespmem:s9], [sflag:$0x3], $0x4000, $0x38;
	[tilespmem:$0x8080] =	vst v63  }
0x70: {  	_ =	swait.ge [sflag:s26], $0x4000  }
0x71: {  	[sflag:s26] =	ssyncset.done $0x0  }
0x72: {  	[sflag:s26] =	ssyncadd.s32 $0xFFFFC000  }
0x73: {  	[hbm4b:s6+s2] =	stream.linear.scatter [tilespmem:s17], [sflag:$0x4], $0x4000, $0x38;
	[tilespmem:$0x8080] =	vst v63  }
0x74: {  	p0 =	sne.s32 s7, $0x1;
	_ =	swait.ge [sflag:s28], $0x4000  }
.Ltmp0:
0x75: {  	[sflag:s28] =	ssyncset.done $0x0;
	(pc) =	sbr.rel @p0 .LBB2_1-.Ltmp0, $4  }
0x76: {  	[sflag:s28] =	ssyncadd.s32 $0xFFFFC000  }
0x77: {  	_ =	swait.ge [sflag:s29], $0x4000  }
0x78: {  	[sflag:s29] =	ssyncset.done $0x0  }
0x79: {  	s7 =	sadd.s32 $0xFFFFFFFF, s7;
	[sflag:s29] =	ssyncadd.s32 $0xFFFFC000  }
0x7a: {  	_ =	sfence.sel $0x180000  }
0x7b: {  	[bflag:$0x0] =	sbarrier.arrive $0xFFFF  }
0x7c: {  	p0 =	sne.s32 s1, $0x0;
	_ =	strace $0x90000047  }
0x7d: {  	s0 =	sadd.s32 @!p0 $0x100000, s0;
	[bflag:$0x2] =	sbarrier.arrive $0xFFFF  }
0x7e: {  	[sflag:s0] =	ssyncadd.tile.s32 @!p0 $0x1;
	_ =	shalt  }
.Lfunc_end2:
_tile_overlayer_lowered:
.L_overlay_start_2:
0x7f: {  	(tag) =	ssettag $0x2  }
0x80: {  	s0 =	rddreg [dreg:$0x0];
	s2 =	stileid.u32  }
0x81: {  	s1 =	rddreg [dreg:$0x1];
	p0 =	sne.s32 s2, $0x0  }
0x82: {  	s3 =	rddreg [dreg:$0x2];
	[bflag:$0x3] =	sbarrier.arrive $0xFFFF;
	s2 =	simm.s32 @!p0 $0x1C05  }
0x83: {  	[timem:s3], [sflag:s2] =	dma.local @!p0 [hbm:s0], s1  }
0x84: {  	s0 =	simm.s32 @!p0 $0x5  }
0x85: {  	_ =	swait.ge @!p0 [sflag:s0], s1  }
0x86: {  	s1 =	ssub.s32 @!p0 $0x0, s1;
	[sflag:s0] =	ssyncset.done @!p0 $0x0  }
0x87: {  	[sflag:s0] =	ssyncadd.s32 @!p0 s1  }
0x88: {  	[bflag:$0x3] =	sbarrier.arrive $0xFFFF  }
0x89: {  	_ =	shalt  }

</sc_bundles>
